<compile_context>
chip_gen: v7x
topology: tpu7x:2x2x1
jax: 0.10.2.dev20260603
libtpu: 0.0.44.dev20260713+nightly
codegen_flags: <defaults>
</compile_context>

<pallas_src>
import functools

import jax
import jax.numpy as jnp
from jax import lax
from jax.experimental import pallas as pl
from jax.experimental.pallas import tpu as pltpu
from jax.experimental.pallas import tpu_sc as plsc

NUM_CLASSES = 10
FEAT_DIM = 2
ALPHA = 0.5
BATCH = 16384

NUM_TILES = 16
CHUNK = BATCH // NUM_TILES
LANES = 16
STEPS = CHUNK // LANES
PART = 3 * LANES
CEN = NUM_CLASSES * FEAT_DIM


def _permute(vals, idx):
    return jnp.take_along_axis(
        vals, idx, axis=0, mode=lax.GatherScatterMode.PROMISE_IN_BOUNDS
    )


def _make_kernel():
    mesh = plsc.VectorSubcoreMesh(
        core_axis_name="c", subcore_axis_name="s", num_cores=1
    )

    @functools.partial(
        pl.kernel,
        mesh=mesh,
        compiler_params=pltpu.CompilerParams(needs_layout_passes=False),
        out_type=[
            jax.ShapeDtypeStruct((BATCH,), jnp.float32),
            jax.ShapeDtypeStruct((CEN,), jnp.float32),
        ],
        scratch_types=[
            pltpu.VMEM((CHUNK,), jnp.int32),
            pltpu.VMEM((CHUNK * FEAT_DIM,), jnp.float32),
            pltpu.VMEM((CHUNK,), jnp.float32),
            pltpu.VMEM((2 * LANES,), jnp.float32),
            pltpu.VMEM((2 * PART,), jnp.float32),
            pltpu.VMEM((NUM_TILES * PART,), jnp.float32),
            pltpu.VMEM((2 * LANES,), jnp.float32),
            pltpu.VMEM_SHARED((NUM_TILES * PART,), jnp.float32),
            pltpu.SemaphoreType.DMA,
            pltpu.SemaphoreType.DMA,
        ],
    )
    def k(feat_hbm, lab_hbm, cen_hbm, res_hbm, nc_hbm,
          lab_v, feat_v, res_v, cen_v, acc_v, all_v, nc_v, shared,
          sem_in, sem_out):
        wid = lax.axis_index("s")
        base = wid * CHUNK

        h_lab = pltpu.async_copy(lab_hbm.at[pl.ds(base, CHUNK)], lab_v, sem_in)
        h_f0 = pltpu.async_copy(
            feat_hbm.at[pl.ds(base, CHUNK)], feat_v.at[pl.ds(0, CHUNK)], sem_in
        )
        h_f1 = pltpu.async_copy(
            feat_hbm.at[pl.ds(BATCH + base, CHUNK)],
            feat_v.at[pl.ds(CHUNK, CHUNK)],
            sem_in,
        )
        h_cen = pltpu.async_copy(cen_hbm, cen_v, sem_in)
        h_lab.wait()
        h_f0.wait()
        h_f1.wait()
        h_cen.wait()

        iota = lax.iota(jnp.int32, LANES)
        cen0 = cen_v[pl.ds(0, LANES)]
        cen1 = cen_v[pl.ds(LANES, LANES)]
        ones_f = jnp.ones((LANES,), jnp.float32)
        zeros_f = jnp.zeros((LANES,), jnp.float32)

        for r in range(6):
            acc_v[pl.ds(r * LANES, LANES)] = zeros_f

        def step(j, _):
            for u in range(2):
                off = pl.multiple_of(j * (2 * LANES) + u * LANES, LANES)
                bank = u * PART
                lab = lab_v[pl.ds(off, LANES)]
                f0 = feat_v[pl.ds(off, LANES)]
                f1 = feat_v[pl.ds(CHUNK + off, LANES)]
                g0 = _permute(cen0, lab)
                g1 = _permute(cen1, lab)
                d0 = f0 - g0
                d1 = f1 - g1
                res_v[pl.ds(off, LANES)] = d0 * d0 + d1 * d1
                plsc.addupdate_scatter(acc_v, [lab + bank], ones_f)
                plsc.addupdate_scatter(acc_v, [lab + (bank + LANES)], f0)
                plsc.addupdate_scatter(acc_v, [lab + (bank + 2 * LANES)], f1)
            return 0

        lax.fori_loop(0, STEPS // 2, step, 0)

        for r in range(3):
            acc_v[pl.ds(r * LANES, LANES)] = (
                acc_v[pl.ds(r * LANES, LANES)]
                + acc_v[pl.ds(PART + r * LANES, LANES)]
            )

        h_res = pltpu.async_copy(res_v, res_hbm.at[pl.ds(base, CHUNK)], sem_out)

        pltpu.sync_copy(acc_v.at[pl.ds(0, PART)], shared.at[pl.ds(wid * PART, PART)])
        plsc.subcore_barrier()

        @pl.when(wid == 0)
        def _():
            pltpu.sync_copy(shared, all_v)
            cnt = zeros_f
            s0 = zeros_f
            s1 = zeros_f
            for t in range(NUM_TILES):
                cnt = cnt + all_v[pl.ds(t * PART, LANES)]
                s0 = s0 + all_v[pl.ds(t * PART + LANES, LANES)]
                s1 = s1 + all_v[pl.ds(t * PART + 2 * LANES, LANES)]
            valid = iota < NUM_CLASSES
            c0 = cen0
            c1 = cen1
            scale = ALPHA / (cnt + 1.0)
            n0 = c0 - (cnt * c0 - s0) * scale
            n1 = c1 - (cnt * c1 - s1) * scale
            plsc.store_scatter(nc_v, [iota], n0, mask=valid)
            plsc.store_scatter(nc_v, [iota + NUM_CLASSES], n1, mask=valid)
            pltpu.sync_copy(nc_v.at[pl.ds(0, CEN)], nc_hbm)

        h_res.wait()

    return k


_sc_center_loss = _make_kernel()


@jax.jit
def kernel(features, labels, centers):
    cen_pad = jnp.pad(centers.T, ((0, 0), (0, LANES - NUM_CLASSES)))
    res, nc = _sc_center_loss(
        features.T.reshape(-1), labels.reshape(-1), cen_pad.reshape(-1)
    )
    return res.reshape(-1, 1), nc.reshape(FEAT_DIM, NUM_CLASSES).T

# --- scband reference (transcript-rebuilt; emitter-appended) ---
"""Pipeline reference for scband-center-loss-layer-11879879542042 (READ-ONLY COPY).

The authoritative reference and input builder live on the scoring server;
editing this copy changes nothing except your own understanding.
"""

import jax, jax.numpy as jnp
import numpy as np

NUM_CLASSES = 10
FEAT_DIM = 2
ALPHA = 0.5
BATCH = 16384


def setup_inputs(seed: int = 0) -> dict:
    key = jax.random.key(seed)
    k1, k2, k3 = jax.random.split(key, 3)
    features = jax.random.normal(k1, (BATCH, FEAT_DIM), dtype=jnp.float32)
    labels = jax.random.randint(k2, (BATCH,), 0, NUM_CLASSES, dtype=jnp.int32)
    # learned (non-trainable) parameter: class centers, 'uniform' initializer in keras
    centers = jax.random.uniform(k3, (NUM_CLASSES, FEAT_DIM), dtype=jnp.float32, minval=-0.05, maxval=0.05)
    return {"features": features, "labels": labels, "centers": centers}


def reference(features, labels, centers):
    labels = labels.reshape(-1)
    # centers_batch = K.gather(self.centers, labels)
    centers_batch = jnp.take(centers, labels, axis=0)
    # tf.unique_with_counts + gather(unique_count, unique_idx) == per-sample label frequency
    counts = jnp.bincount(labels, length=NUM_CLASSES)
    appear_times = jnp.take(counts, labels, axis=0).reshape(-1, 1)
    delta_centers = (centers_batch - features) / (1.0 + appear_times.astype(jnp.float32))
    delta_centers = ALPHA * delta_centers
    # tf.compat.v1.scatter_sub(self.centers, labels, delta_centers)
    new_centers = centers.at[labels].add(-delta_centers)
    # self.result = K.sum(K.square(features - centers_batch), axis=1, keepdims=True)
    result = jnp.sum(jnp.square(features - centers_batch), axis=1, keepdims=True)
    return (result, new_centers)

if __name__ == "__main__":
    import jax
    _d = setup_inputs()
    print(jax.jit(kernel)(*tuple(_d.values())))

</pallas_src>

<mosaic_0001>
#map = affine_map<(d0, d1) -> (0)>
module attributes {stable_mosaic.version = 14 : i64} {
  func.func @k(%arg0: i32, %arg1: i32, %arg2: memref<32768xf32, #tpu.memory_space<hbm>>, %arg3: memref<16384xi32, #tpu.memory_space<hbm>>, %arg4: memref<32xf32, #tpu.memory_space<hbm>>, %arg5: memref<16384xf32, #tpu.memory_space<hbm>>, %arg6: memref<20xf32, #tpu.memory_space<hbm>>, %arg7: memref<1024xi32, #tpu.memory_space<vmem>>, %arg8: memref<2048xf32, #tpu.memory_space<vmem>>, %arg9: memref<1024xf32, #tpu.memory_space<vmem>>, %arg10: memref<32xf32, #tpu.memory_space<vmem>>, %arg11: memref<96xf32, #tpu.memory_space<vmem>>, %arg12: memref<768xf32, #tpu.memory_space<vmem>>, %arg13: memref<32xf32, #tpu.memory_space<vmem>>, %arg14: memref<768xf32, #tpu.memory_space<vmem_shared>>, %arg15: memref<!tpu.dma_semaphore, #tpu.memory_space<semaphore_mem>>, %arg16: memref<!tpu.dma_semaphore, #tpu.memory_space<semaphore_mem>>) attributes {dimension_semantics = [#tpu.dimension_semantics<core_parallel>, #tpu.dimension_semantics<subcore_parallel>], iteration_bounds = array<i64: 1, 16>, scalar_prefetch = 0 : i64, scratch_operands = 10 : i64, tpu.core_type = #tpu.core_type<sc_vector_subcore>, window_params = [{transform_indices = #map}, {transform_indices = #map}, {transform_indices = #map}, {transform_indices = #map}, {transform_indices = #map}]} {
    %mul3A = arith.constant 1024 : i32
    %mul3A_0 = arith.muli %arg1, %mul3A : i32
    %dma_start3A = tpu.memref_slice %arg3[%mul3A_0] : memref<16384xi32, #tpu.memory_space<hbm>> -> memref<1024xi32, #tpu.memory_space<hbm>>
    %dma_start3A_1 = tpu.memref_slice %arg3[%mul3A_0] : memref<16384xi32, #tpu.memory_space<hbm>> -> memref<1024xi32, #tpu.memory_space<hbm>>
    tpu.enqueue_dma source(%dma_start3A_1 : memref<1024xi32, #tpu.memory_space<hbm>>) target(%arg7 : memref<1024xi32, #tpu.memory_space<vmem>>) target_semaphore(%arg15 : memref<!tpu.dma_semaphore, #tpu.memory_space<semaphore_mem>>)
    %dma_start3A_2 = arith.constant 0 : i32
    %dma_start3A_3 = tpu.memref_slice %arg8[%dma_start3A_2] : memref<2048xf32, #tpu.memory_space<vmem>> -> memref<1024xf32, #tpu.memory_space<vmem>>
    %dma_start3A_4 = tpu.memref_slice %arg2[%mul3A_0] : memref<32768xf32, #tpu.memory_space<hbm>> -> memref<1024xf32, #tpu.memory_space<hbm>>
    %dma_start3A_5 = arith.constant 0 : i32
    %dma_start3A_6 = tpu.memref_slice %arg8[%dma_start3A_5] : memref<2048xf32, #tpu.memory_space<vmem>> -> memref<1024xf32, #tpu.memory_space<vmem>>
    %dma_start3A_7 = tpu.memref_slice %arg2[%mul3A_0] : memref<32768xf32, #tpu.memory_space<hbm>> -> memref<1024xf32, #tpu.memory_space<hbm>>
    tpu.enqueue_dma source(%dma_start3A_7 : memref<1024xf32, #tpu.memory_space<hbm>>) target(%dma_start3A_6 : memref<1024xf32, #tpu.memory_space<vmem>>) target_semaphore(%arg15 : memref<!tpu.dma_semaphore, #tpu.memory_space<semaphore_mem>>)
    %add3A = arith.constant 16384 : i32
    %add3A_8 = arith.addi %add3A, %mul3A_0 : i32
    %dma_start3A_9 = arith.constant 1024 : i32
    %dma_start3A_10 = tpu.memref_slice %arg8[%dma_start3A_9] : memref<2048xf32, #tpu.memory_space<vmem>> -> memref<1024xf32, #tpu.memory_space<vmem>>
    %dma_start3A_11 = tpu.memref_slice %arg2[%add3A_8] : memref<32768xf32, #tpu.memory_space<hbm>> -> memref<1024xf32, #tpu.memory_space<hbm>>
    %dma_start3A_12 = arith.constant 1024 : i32
    %dma_start3A_13 = tpu.memref_slice %arg8[%dma_start3A_12] : memref<2048xf32, #tpu.memory_space<vmem>> -> memref<1024xf32, #tpu.memory_space<vmem>>
    %dma_start3A_14 = tpu.memref_slice %arg2[%add3A_8] : memref<32768xf32, #tpu.memory_space<hbm>> -> memref<1024xf32, #tpu.memory_space<hbm>>
    tpu.enqueue_dma source(%dma_start3A_14 : memref<1024xf32, #tpu.memory_space<hbm>>) target(%dma_start3A_13 : memref<1024xf32, #tpu.memory_space<vmem>>) target_semaphore(%arg15 : memref<!tpu.dma_semaphore, #tpu.memory_space<semaphore_mem>>)
    tpu.enqueue_dma source(%arg4 : memref<32xf32, #tpu.memory_space<hbm>>) target(%arg10 : memref<32xf32, #tpu.memory_space<vmem>>) target_semaphore(%arg15 : memref<!tpu.dma_semaphore, #tpu.memory_space<semaphore_mem>>)
    %dma_wait3A = tpu.memref_slice %arg3[%mul3A_0] : memref<16384xi32, #tpu.memory_space<hbm>> -> memref<1024xi32, #tpu.memory_space<hbm>>
    %dma_wait3A_15 = tpu.memref_slice %arg3[%mul3A_0] : memref<16384xi32, #tpu.memory_space<hbm>> -> memref<1024xi32, #tpu.memory_space<hbm>>
    tpu.wait_dma2 semaphore(%arg15 : memref<!tpu.dma_semaphore, #tpu.memory_space<semaphore_mem>>) src(%dma_wait3A_15 : memref<1024xi32, #tpu.memory_space<hbm>>) dst(%arg7 : memref<1024xi32, #tpu.memory_space<vmem>>)
    %dma_wait3A_16 = arith.constant 0 : i32
    %dma_wait3A_17 = tpu.memref_slice %arg8[%dma_wait3A_16] : memref<2048xf32, #tpu.memory_space<vmem>> -> memref<1024xf32, #tpu.memory_space<vmem>>
    %dma_wait3A_18 = tpu.memref_slice %arg2[%mul3A_0] : memref<32768xf32, #tpu.memory_space<hbm>> -> memref<1024xf32, #tpu.memory_space<hbm>>
    %dma_wait3A_19 = arith.constant 0 : i32
    %dma_wait3A_20 = tpu.memref_slice %arg8[%dma_wait3A_19] : memref<2048xf32, #tpu.memory_space<vmem>> -> memref<1024xf32, #tpu.memory_space<vmem>>
    %dma_wait3A_21 = tpu.memref_slice %arg2[%mul3A_0] : memref<32768xf32, #tpu.memory_space<hbm>> -> memref<1024xf32, #tpu.memory_space<hbm>>
    tpu.wait_dma2 semaphore(%arg15 : memref<!tpu.dma_semaphore, #tpu.memory_space<semaphore_mem>>) src(%dma_wait3A_21 : memref<1024xf32, #tpu.memory_space<hbm>>) dst(%dma_wait3A_20 : memref<1024xf32, #tpu.memory_space<vmem>>)
    %dma_wait3A_22 = arith.constant 1024 : i32
    %dma_wait3A_23 = tpu.memref_slice %arg8[%dma_wait3A_22] : memref<2048xf32, #tpu.memory_space<vmem>> -> memref<1024xf32, #tpu.memory_space<vmem>>
    %dma_wait3A_24 = tpu.memref_slice %arg2[%add3A_8] : memref<32768xf32, #tpu.memory_space<hbm>> -> memref<1024xf32, #tpu.memory_space<hbm>>
    %dma_wait3A_25 = arith.constant 1024 : i32
    %dma_wait3A_26 = tpu.memref_slice %arg8[%dma_wait3A_25] : memref<2048xf32, #tpu.memory_space<vmem>> -> memref<1024xf32, #tpu.memory_space<vmem>>
    %dma_wait3A_27 = tpu.memref_slice %arg2[%add3A_8] : memref<32768xf32, #tpu.memory_space<hbm>> -> memref<1024xf32, #tpu.memory_space<hbm>>
    tpu.wait_dma2 semaphore(%arg15 : memref<!tpu.dma_semaphore, #tpu.memory_space<semaphore_mem>>) src(%dma_wait3A_27 : memref<1024xf32, #tpu.memory_space<hbm>>) dst(%dma_wait3A_26 : memref<1024xf32, #tpu.memory_space<vmem>>)
    tpu.wait_dma2 semaphore(%arg15 : memref<!tpu.dma_semaphore, #tpu.memory_space<semaphore_mem>>) src(%arg4 : memref<32xf32, #tpu.memory_space<hbm>>) dst(%arg10 : memref<32xf32, #tpu.memory_space<vmem>>)
    %iota3A = tpu.iota {dimensions = array<i32: 0>} : vector<16xi32>
    %get3A = arith.constant 0 : index
    %get3A_28 = tpu.vector_load %arg10[%get3A] {strides = array<i32>} : memref<32xf32, #tpu.memory_space<vmem>>, vector<16xf32>,
    %get3A_29 = arith.constant 16 : index
    %get3A_30 = tpu.vector_load %arg10[%get3A_29] {strides = array<i32>} : memref<32xf32, #tpu.memory_space<vmem>>, vector<16xf32>,
    %broadcast_in_dim3A = arith.constant 1.000000e+00 : f32
    %broadcast_in_dim3A_31 = vector.broadcast %broadcast_in_dim3A : f32 to vector<16xf32>
    %broadcast_in_dim3A_32 = arith.constant 0.000000e+00 : f32
    %broadcast_in_dim3A_33 = vector.broadcast %broadcast_in_dim3A_32 : f32 to vector<16xf32>
    %swap3A = arith.constant 0 : index
    %swap3A_34 = tpu.vector_load %arg11[%swap3A] {strides = array<i32>} : memref<96xf32, #tpu.memory_space<vmem>>, vector<16xf32>,
    tpu.vector_store %arg11[%swap3A], %broadcast_in_dim3A_33 {strides = array<i32>} : memref<96xf32, #tpu.memory_space<vmem>>, vector<16xf32>,
    %swap3A_35 = arith.constant 16 : index
    %swap3A_36 = tpu.vector_load %arg11[%swap3A_35] {strides = array<i32>} : memref<96xf32, #tpu.memory_space<vmem>>, vector<16xf32>,
    tpu.vector_store %arg11[%swap3A_35], %broadcast_in_dim3A_33 {strides = array<i32>} : memref<96xf32, #tpu.memory_space<vmem>>, vector<16xf32>,
    %swap3A_37 = arith.constant 32 : index
    %swap3A_38 = tpu.vector_load %arg11[%swap3A_37] {strides = array<i32>} : memref<96xf32, #tpu.memory_space<vmem>>, vector<16xf32>,
    tpu.vector_store %arg11[%swap3A_37], %broadcast_in_dim3A_33 {strides = array<i32>} : memref<96xf32, #tpu.memory_space<vmem>>, vector<16xf32>,
    %swap3A_39 = arith.constant 48 : index
    %swap3A_40 = tpu.vector_load %arg11[%swap3A_39] {strides = array<i32>} : memref<96xf32, #tpu.memory_space<vmem>>, vector<16xf32>,
    tpu.vector_store %arg11[%swap3A_39], %broadcast_in_dim3A_33 {strides = array<i32>} : memref<96xf32, #tpu.memory_space<vmem>>, vector<16xf32>,
    %swap3A_41 = arith.constant 64 : index
    %swap3A_42 = tpu.vector_load %arg11[%swap3A_41] {strides = array<i32>} : memref<96xf32, #tpu.memory_space<vmem>>, vector<16xf32>,
    tpu.vector_store %arg11[%swap3A_41], %broadcast_in_dim3A_33 {strides = array<i32>} : memref<96xf32, #tpu.memory_space<vmem>>, vector<16xf32>,
    %swap3A_43 = arith.constant 80 : index
    %swap3A_44 = tpu.vector_load %arg11[%swap3A_43] {strides = array<i32>} : memref<96xf32, #tpu.memory_space<vmem>>, vector<16xf32>,
    tpu.vector_store %arg11[%swap3A_43], %broadcast_in_dim3A_33 {strides = array<i32>} : memref<96xf32, #tpu.memory_space<vmem>>, vector<16xf32>,
    %scan3A = arith.constant 0 : i32
    %scan3A_45 = arith.constant 0 : i32
    %scan3A_46 = arith.constant 32 : i32
    %scan3A_47 = arith.addi %scan3A_45, %scan3A_46 : i32
    %scan3A_48 = arith.constant 1 : i32
    %scan3A_49 = scf.for %scan3A_80 = %scan3A_45 to %scan3A_47 step %scan3A_48 iter_args(%scan3A_81 = %scan3A) -> (i32)  : i32 {
      %mul3A_82 = arith.constant 32 : i32
      %mul3A_83 = arith.muli %scan3A_80, %mul3A_82 : i32
      %add3A_84 = arith.constant 0 : i32
      %add3A_85 = arith.addi %mul3A_83, %add3A_84 : i32
      %multiple_of3A = tpu.assume_multiple %add3A_85, 16 : i32
      %get3A_86 = arith.index_cast %multiple_of3A : i32 to index
      %get3A_87 = tpu.vector_load %arg7[%get3A_86] {strides = array<i32>} : memref<1024xi32, #tpu.memory_space<vmem>>, vector<16xi32>,
      %get3A_88 = arith.index_cast %multiple_of3A : i32 to index
      %get3A_89 = tpu.vector_load %arg8[%get3A_88] {strides = array<i32>} : memref<2048xf32, #tpu.memory_space<vmem>>, vector<16xf32>,
      %add3A_90 = arith.constant 1024 : i32
      %add3A_91 = arith.addi %add3A_90, %multiple_of3A : i32
      %get3A_92 = arith.index_cast %add3A_91 : i32 to index
      %get3A_93 = tpu.vector_load %arg8[%get3A_92] {strides = array<i32>} : memref<2048xf32, #tpu.memory_space<vmem>>, vector<16xf32>,
      %lt3A = arith.constant 0 : i32
      %lt3A_94 = vector.broadcast %lt3A : i32 to vector<16xi32>
      %lt3A_95 = arith.cmpi slt, %get3A_87, %lt3A_94 : vector<16xi32>
      %add3A_96 = arith.constant 16 : i32
      %add3A_97 = vector.broadcast %add3A_96 : i32 to vector<16xi32>
      %add3A_98 = arith.addi %get3A_87, %add3A_97 : vector<16xi32>
      %select_n3A = arith.select %lt3A_95, %add3A_98, %get3A_87 : vector<16xi1>, vector<16xi32>
      %reshape3A = vector.shape_cast %select_n3A : vector<16xi32> to vector<16x1xi32>
      %gather3A = vector.shape_cast %reshape3A : vector<16x1xi32> to vector<16xi32>
      %gather3A_99 = tpu.dynamic_gather %get3A_28[%gather3A] in [0] : vector<16xf32>, vector<16xi32> -> vector<16xf32>
      %lt3A_100 = arith.constant 0 : i32
      %lt3A_101 = vector.broadcast %lt3A_100 : i32 to vector<16xi32>
      %lt3A_102 = arith.cmpi slt, %get3A_87, %lt3A_101 : vector<16xi32>
      %add3A_103 = arith.constant 16 : i32
      %add3A_104 = vector.broadcast %add3A_103 : i32 to vector<16xi32>
      %add3A_105 = arith.addi %get3A_87, %add3A_104 : vector<16xi32>
      %select_n3A_106 = arith.select %lt3A_102, %add3A_105, %get3A_87 : vector<16xi1>, vector<16xi32>
      %reshape3A_107 = vector.shape_cast %select_n3A_106 : vector<16xi32> to vector<16x1xi32>
      %gather3A_108 = vector.shape_cast %reshape3A_107 : vector<16x1xi32> to vector<16xi32>
      %gather3A_109 = tpu.dynamic_gather %get3A_30[%gather3A_108] in [0] : vector<16xf32>, vector<16xi32> -> vector<16xf32>
      %sub3A = arith.subf %get3A_89, %gather3A_99 : vector<16xf32>
      %sub3A_110 = arith.subf %get3A_93, %gather3A_109 : vector<16xf32>
      %mul3A_111 = arith.mulf %sub3A, %sub3A : vector<16xf32>
      %mul3A_112 = arith.mulf %sub3A_110, %sub3A_110 : vector<16xf32>
      %add3A_113 = arith.addf %mul3A_111, %mul3A_112 : vector<16xf32>
      %swap3A_114 = arith.index_cast %multiple_of3A : i32 to index
      %swap3A_115 = tpu.vector_load %arg9[%swap3A_114] {strides = array<i32>} : memref<1024xf32, #tpu.memory_space<vmem>>, vector<16xf32>,
      tpu.vector_store %arg9[%swap3A_114], %add3A_113 {strides = array<i32>} : memref<1024xf32, #tpu.memory_space<vmem>>, vector<16xf32>,
      %add3A_116 = arith.constant 0 : i32
      %add3A_117 = vector.broadcast %add3A_116 : i32 to vector<16xi32>
      %add3A_118 = arith.addi %get3A_87, %add3A_117 : vector<16xi32>
      tpu.vector_store_idx %arg11[%add3A_118], %broadcast_in_dim3A_31 {add = true} : memref<96xf32, #tpu.memory_space<vmem>>[vector<16xi32>], vector<16xf32>,
      %add3A_119 = arith.constant 16 : i32
      %add3A_120 = vector.broadcast %add3A_119 : i32 to vector<16xi32>
      %add3A_121 = arith.addi %get3A_87, %add3A_120 : vector<16xi32>
      tpu.vector_store_idx %arg11[%add3A_121], %get3A_89 {add = true} : memref<96xf32, #tpu.memory_space<vmem>>[vector<16xi32>], vector<16xf32>,
      %add3A_122 = arith.constant 32 : i32
      %add3A_123 = vector.broadcast %add3A_122 : i32 to vector<16xi32>
      %add3A_124 = arith.addi %get3A_87, %add3A_123 : vector<16xi32>
      tpu.vector_store_idx %arg11[%add3A_124], %get3A_93 {add = true} : memref<96xf32, #tpu.memory_space<vmem>>[vector<16xi32>], vector<16xf32>,
      %mul3A_125 = arith.constant 32 : i32
      %mul3A_126 = arith.muli %scan3A_80, %mul3A_125 : i32
      %add3A_127 = arith.constant 16 : i32
      %add3A_128 = arith.addi %mul3A_126, %add3A_127 : i32
      %multiple_of3A_129 = tpu.assume_multiple %add3A_128, 16 : i32
      %get3A_130 = arith.index_cast %multiple_of3A_129 : i32 to index
      %get3A_131 = tpu.vector_load %arg7[%get3A_130] {strides = array<i32>} : memref<1024xi32, #tpu.memory_space<vmem>>, vector<16xi32>,
      %get3A_132 = arith.index_cast %multiple_of3A_129 : i32 to index
      %get3A_133 = tpu.vector_load %arg8[%get3A_132] {strides = array<i32>} : memref<2048xf32, #tpu.memory_space<vmem>>, vector<16xf32>,
      %add3A_134 = arith.constant 1024 : i32
      %add3A_135 = arith.addi %add3A_134, %multiple_of3A_129 : i32
      %get3A_136 = arith.index_cast %add3A_135 : i32 to index
      %get3A_137 = tpu.vector_load %arg8[%get3A_136] {strides = array<i32>} : memref<2048xf32, #tpu.memory_space<vmem>>, vector<16xf32>,
      %lt3A_138 = arith.constant 0 : i32
      %lt3A_139 = vector.broadcast %lt3A_138 : i32 to vector<16xi32>
      %lt3A_140 = arith.cmpi slt, %get3A_131, %lt3A_139 : vector<16xi32>
      %add3A_141 = arith.constant 16 : i32
      %add3A_142 = vector.broadcast %add3A_141 : i32 to vector<16xi32>
      %add3A_143 = arith.addi %get3A_131, %add3A_142 : vector<16xi32>
      %select_n3A_144 = arith.select %lt3A_140, %add3A_143, %get3A_131 : vector<16xi1>, vector<16xi32>
      %reshape3A_145 = vector.shape_cast %select_n3A_144 : vector<16xi32> to vector<16x1xi32>
      %gather3A_146 = vector.shape_cast %reshape3A_145 : vector<16x1xi32> to vector<16xi32>
      %gather3A_147 = tpu.dynamic_gather %get3A_28[%gather3A_146] in [0] : vector<16xf32>, vector<16xi32> -> vector<16xf32>
      %lt3A_148 = arith.constant 0 : i32
      %lt3A_149 = vector.broadcast %lt3A_148 : i32 to vector<16xi32>
      %lt3A_150 = arith.cmpi slt, %get3A_131, %lt3A_149 : vector<16xi32>
      %add3A_151 = arith.constant 16 : i32
      %add3A_152 = vector.broadcast %add3A_151 : i32 to vector<16xi32>
      %add3A_153 = arith.addi %get3A_131, %add3A_152 : vector<16xi32>
      %select_n3A_154 = arith.select %lt3A_150, %add3A_153, %get3A_131 : vector<16xi1>, vector<16xi32>
      %reshape3A_155 = vector.shape_cast %select_n3A_154 : vector<16xi32> to vector<16x1xi32>
      %gather3A_156 = vector.shape_cast %reshape3A_155 : vector<16x1xi32> to vector<16xi32>
      %gather3A_157 = tpu.dynamic_gather %get3A_30[%gather3A_156] in [0] : vector<16xf32>, vector<16xi32> -> vector<16xf32>
      %sub3A_158 = arith.subf %get3A_133, %gather3A_147 : vector<16xf32>
      %sub3A_159 = arith.subf %get3A_137, %gather3A_157 : vector<16xf32>
      %mul3A_160 = arith.mulf %sub3A_158, %sub3A_158 : vector<16xf32>
      %mul3A_161 = arith.mulf %sub3A_159, %sub3A_159 : vector<16xf32>
      %add3A_162 = arith.addf %mul3A_160, %mul3A_161 : vector<16xf32>
      %swap3A_163 = arith.index_cast %multiple_of3A_129 : i32 to index
      %swap3A_164 = tpu.vector_load %arg9[%swap3A_163] {strides = array<i32>} : memref<1024xf32, #tpu.memory_space<vmem>>, vector<16xf32>,
      tpu.vector_store %arg9[%swap3A_163], %add3A_162 {strides = array<i32>} : memref<1024xf32, #tpu.memory_space<vmem>>, vector<16xf32>,
      %add3A_165 = arith.constant 48 : i32
      %add3A_166 = vector.broadcast %add3A_165 : i32 to vector<16xi32>
      %add3A_167 = arith.addi %get3A_131, %add3A_166 : vector<16xi32>
      tpu.vector_store_idx %arg11[%add3A_167], %broadcast_in_dim3A_31 {add = true} : memref<96xf32, #tpu.memory_space<vmem>>[vector<16xi32>], vector<16xf32>,
      %add3A_168 = arith.constant 64 : i32
      %add3A_169 = vector.broadcast %add3A_168 : i32 to vector<16xi32>
      %add3A_170 = arith.addi %get3A_131, %add3A_169 : vector<16xi32>
      tpu.vector_store_idx %arg11[%add3A_170], %get3A_133 {add = true} : memref<96xf32, #tpu.memory_space<vmem>>[vector<16xi32>], vector<16xf32>,
      %add3A_171 = arith.constant 80 : i32
      %add3A_172 = vector.broadcast %add3A_171 : i32 to vector<16xi32>
      %add3A_173 = arith.addi %get3A_131, %add3A_172 : vector<16xi32>
      tpu.vector_store_idx %arg11[%add3A_173], %get3A_137 {add = true} : memref<96xf32, #tpu.memory_space<vmem>>[vector<16xi32>], vector<16xf32>,
      %scan3A_174 = arith.constant 0 : i32
      scf.yield %scan3A_174 : i32
    }
    %scan3A_50 = arith.constant 32 : i32
    %get3A_51 = arith.constant 0 : index
    %get3A_52 = tpu.vector_load %arg11[%get3A_51] {strides = array<i32>} : memref<96xf32, #tpu.memory_space<vmem>>, vector<16xf32>,
    %get3A_53 = arith.constant 48 : index
    %get3A_54 = tpu.vector_load %arg11[%get3A_53] {strides = array<i32>} : memref<96xf32, #tpu.memory_space<vmem>>, vector<16xf32>,
    %add3A_55 = arith.addf %get3A_52, %get3A_54 : vector<16xf32>
    %swap3A_56 = arith.constant 0 : index
    %swap3A_57 = tpu.vector_load %arg11[%swap3A_56] {strides = array<i32>} : memref<96xf32, #tpu.memory_space<vmem>>, vector<16xf32>,
    tpu.vector_store %arg11[%swap3A_56], %add3A_55 {strides = array<i32>} : memref<96xf32, #tpu.memory_space<vmem>>, vector<16xf32>,
    %get3A_58 = arith.constant 16 : index
    %get3A_59 = tpu.vector_load %arg11[%get3A_58] {strides = array<i32>} : memref<96xf32, #tpu.memory_space<vmem>>, vector<16xf32>,
    %get3A_60 = arith.constant 64 : index
    %get3A_61 = tpu.vector_load %arg11[%get3A_60] {strides = array<i32>} : memref<96xf32, #tpu.memory_space<vmem>>, vector<16xf32>,
    %add3A_62 = arith.addf %get3A_59, %get3A_61 : vector<16xf32>
    %swap3A_63 = arith.constant 16 : index
    %swap3A_64 = tpu.vector_load %arg11[%swap3A_63] {strides = array<i32>} : memref<96xf32, #tpu.memory_space<vmem>>, vector<16xf32>,
    tpu.vector_store %arg11[%swap3A_63], %add3A_62 {strides = array<i32>} : memref<96xf32, #tpu.memory_space<vmem>>, vector<16xf32>,
    %get3A_65 = arith.constant 32 : index
    %get3A_66 = tpu.vector_load %arg11[%get3A_65] {strides = array<i32>} : memref<96xf32, #tpu.memory_space<vmem>>, vector<16xf32>,
    %get3A_67 = arith.constant 80 : index
    %get3A_68 = tpu.vector_load %arg11[%get3A_67] {strides = array<i32>} : memref<96xf32, #tpu.memory_space<vmem>>, vector<16xf32>,
    %add3A_69 = arith.addf %get3A_66, %get3A_68 : vector<16xf32>
    %swap3A_70 = arith.constant 32 : index
    %swap3A_71 = tpu.vector_load %arg11[%swap3A_70] {strides = array<i32>} : memref<96xf32, #tpu.memory_space<vmem>>, vector<16xf32>,
    tpu.vector_store %arg11[%swap3A_70], %add3A_69 {strides = array<i32>} : memref<96xf32, #tpu.memory_space<vmem>>, vector<16xf32>,
    %dma_start3A_72 = tpu.memref_slice %arg5[%mul3A_0] : memref<16384xf32, #tpu.memory_space<hbm>> -> memref<1024xf32, #tpu.memory_space<hbm>>
    %dma_start3A_73 = tpu.memref_slice %arg5[%mul3A_0] : memref<16384xf32, #tpu.memory_space<hbm>> -> memref<1024xf32, #tpu.memory_space<hbm>>
    tpu.enqueue_dma source(%arg9 : memref<1024xf32, #tpu.memory_space<vmem>>) target(%dma_start3A_73 : memref<1024xf32, #tpu.memory_space<hbm>>) target_semaphore(%arg16 : memref<!tpu.dma_semaphore, #tpu.memory_space<semaphore_mem>>)
    %mul3A_74 = arith.constant 48 : i32
    %mul3A_75 = arith.muli %arg1, %mul3A_74 : i32
    "tpu.region"() ({
      %run_scoped3A = tpu.sem_alloc : memref<!tpu.dma_semaphore, #tpu.memory_space<semaphore_mem>>
      %dma_start3A_80 = arith.constant 0 : i32
      %dma_start3A_81 = tpu.memref_slice %arg11[%dma_start3A_80] : memref<96xf32, #tpu.memory_space<vmem>> -> memref<48xf32, #tpu.memory_space<vmem>>
      %dma_start3A_82 = tpu.memref_slice %arg14[%mul3A_75] : memref<768xf32, #tpu.memory_space<vmem_shared>> -> memref<48xf32, #tpu.memory_space<vmem_shared>>
      %dma_start3A_83 = tpu.memref_slice %arg14[%mul3A_75] : memref<768xf32, #tpu.memory_space<vmem_shared>> -> memref<48xf32, #tpu.memory_space<vmem_shared>>
      %dma_start3A_84 = arith.constant 0 : i32
      %dma_start3A_85 = tpu.memref_slice %arg11[%dma_start3A_84] : memref<96xf32, #tpu.memory_space<vmem>> -> memref<48xf32, #tpu.memory_space<vmem>>
      tpu.enqueue_dma source(%dma_start3A_85 : memref<48xf32, #tpu.memory_space<vmem>>) target(%dma_start3A_83 : memref<48xf32, #tpu.memory_space<vmem_shared>>) target_semaphore(%run_scoped3A : memref<!tpu.dma_semaphore, #tpu.memory_space<semaphore_mem>>)
      %dma_wait3A_86 = arith.constant 0 : i32
      %dma_wait3A_87 = tpu.memref_slice %arg11[%dma_wait3A_86] : memref<96xf32, #tpu.memory_space<vmem>> -> memref<48xf32, #tpu.memory_space<vmem>>
      %dma_wait3A_88 = tpu.memref_slice %arg14[%mul3A_75] : memref<768xf32, #tpu.memory_space<vmem_shared>> -> memref<48xf32, #tpu.memory_space<vmem_shared>>
      %dma_wait3A_89 = tpu.memref_slice %arg14[%mul3A_75] : memref<768xf32, #tpu.memory_space<vmem_shared>> -> memref<48xf32, #tpu.memory_space<vmem_shared>>
      %dma_wait3A_90 = arith.constant 0 : i32
      %dma_wait3A_91 = tpu.memref_slice %arg11[%dma_wait3A_90] : memref<96xf32, #tpu.memory_space<vmem>> -> memref<48xf32, #tpu.memory_space<vmem>>
      tpu.wait_dma2 semaphore(%run_scoped3A : memref<!tpu.dma_semaphore, #tpu.memory_space<semaphore_mem>>) src(%dma_wait3A_91 : memref<48xf32, #tpu.memory_space<vmem>>) dst(%dma_wait3A_89 : memref<48xf32, #tpu.memory_space<vmem_shared>>)
      tpu.yield
    }) : () -> ()
    %barrier3A = arith.constant 0 : index
    tpu.barrier barrier_id(%barrier3A)
    %eq3A = arith.constant 0 : i32
    %eq3A_76 = arith.cmpi eq, %arg1, %eq3A : i32
    %convert_element_type3A = arith.extui %eq3A_76 : i1 to i32
    %cond3A = arith.constant 0 : i32
    %cond3A_77 = arith.cmpi ne, %convert_element_type3A, %cond3A : i32
    scf.if %cond3A_77 {
      "tpu.region"() ({
        %run_scoped3A = tpu.sem_alloc : memref<!tpu.dma_semaphore, #tpu.memory_space<semaphore_mem>>
        tpu.enqueue_dma source(%arg14 : memref<768xf32, #tpu.memory_space<vmem_shared>>) target(%arg12 : memref<768xf32, #tpu.memory_space<vmem>>) target_semaphore(%run_scoped3A : memref<!tpu.dma_semaphore, #tpu.memory_space<semaphore_mem>>)
        tpu.wait_dma2 semaphore(%run_scoped3A : memref<!tpu.dma_semaphore, #tpu.memory_space<semaphore_mem>>) src(%arg14 : memref<768xf32, #tpu.memory_space<vmem_shared>>) dst(%arg12 : memref<768xf32, #tpu.memory_space<vmem>>)
        tpu.yield
      }) : () -> ()
      %get3A_80 = arith.constant 0 : index
      %get3A_81 = tpu.vector_load %arg12[%get3A_80] {strides = array<i32>} : memref<768xf32, #tpu.memory_space<vmem>>, vector<16xf32>,
      %add3A_82 = arith.addf %broadcast_in_dim3A_33, %get3A_81 : vector<16xf32>
      %get3A_83 = arith.constant 16 : index
      %get3A_84 = tpu.vector_load %arg12[%get3A_83] {strides = array<i32>} : memref<768xf32, #tpu.memory_space<vmem>>, vector<16xf32>,
      %add3A_85 = arith.addf %broadcast_in_dim3A_33, %get3A_84 : vector<16xf32>
      %get3A_86 = arith.constant 32 : index
      %get3A_87 = tpu.vector_load %arg12[%get3A_86] {strides = array<i32>} : memref<768xf32, #tpu.memory_space<vmem>>, vector<16xf32>,
      %add3A_88 = arith.addf %broadcast_in_dim3A_33, %get3A_87 : vector<16xf32>
      %get3A_89 = arith.constant 48 : index
      %get3A_90 = tpu.vector_load %arg12[%get3A_89] {strides = array<i32>} : memref<768xf32, #tpu.memory_space<vmem>>, vector<16xf32>,
      %add3A_91 = arith.addf %add3A_82, %get3A_90 : vector<16xf32>
      %get3A_92 = arith.constant 64 : index
      %get3A_93 = tpu.vector_load %arg12[%get3A_92] {strides = array<i32>} : memref<768xf32, #tpu.memory_space<vmem>>, vector<16xf32>,
      %add3A_94 = arith.addf %add3A_85, %get3A_93 : vector<16xf32>
      %get3A_95 = arith.constant 80 : index
      %get3A_96 = tpu.vector_load %arg12[%get3A_95] {strides = array<i32>} : memref<768xf32, #tpu.memory_space<vmem>>, vector<16xf32>,
      %add3A_97 = arith.addf %add3A_88, %get3A_96 : vector<16xf32>
      %get3A_98 = arith.constant 96 : index
      %get3A_99 = tpu.vector_load %arg12[%get3A_98] {strides = array<i32>} : memref<768xf32, #tpu.memory_space<vmem>>, vector<16xf32>,
      %add3A_100 = arith.addf %add3A_91, %get3A_99 : vector<16xf32>
      %get3A_101 = arith.constant 112 : index
      %get3A_102 = tpu.vector_load %arg12[%get3A_101] {strides = array<i32>} : memref<768xf32, #tpu.memory_space<vmem>>, vector<16xf32>,
      %add3A_103 = arith.addf %add3A_94, %get3A_102 : vector<16xf32>
      %get3A_104 = arith.constant 128 : index
      %get3A_105 = tpu.vector_load %arg12[%get3A_104] {strides = array<i32>} : memref<768xf32, #tpu.memory_space<vmem>>, vector<16xf32>,
      %add3A_106 = arith.addf %add3A_97, %get3A_105 : vector<16xf32>
      %get3A_107 = arith.constant 144 : index
      %get3A_108 = tpu.vector_load %arg12[%get3A_107] {strides = array<i32>} : memref<768xf32, #tpu.memory_space<vmem>>, vector<16xf32>,
      %add3A_109 = arith.addf %add3A_100, %get3A_108 : vector<16xf32>
      %get3A_110 = arith.constant 160 : index
      %get3A_111 = tpu.vector_load %arg12[%get3A_110] {strides = array<i32>} : memref<768xf32, #tpu.memory_space<vmem>>, vector<16xf32>,
      %add3A_112 = arith.addf %add3A_103, %get3A_111 : vector<16xf32>
      %get3A_113 = arith.constant 176 : index
      %get3A_114 = tpu.vector_load %arg12[%get3A_113] {strides = array<i32>} : memref<768xf32, #tpu.memory_space<vmem>>, vector<16xf32>,
      %add3A_115 = arith.addf %add3A_106, %get3A_114 : vector<16xf32>
      %get3A_116 = arith.constant 192 : index
      %get3A_117 = tpu.vector_load %arg12[%get3A_116] {strides = array<i32>} : memref<768xf32, #tpu.memory_space<vmem>>, vector<16xf32>,
      %add3A_118 = arith.addf %add3A_109, %get3A_117 : vector<16xf32>
      %get3A_119 = arith.constant 208 : index
      %get3A_120 = tpu.vector_load %arg12[%get3A_119] {strides = array<i32>} : memref<768xf32, #tpu.memory_space<vmem>>, vector<16xf32>,
      %add3A_121 = arith.addf %add3A_112, %get3A_120 : vector<16xf32>
      %get3A_122 = arith.constant 224 : index
      %get3A_123 = tpu.vector_load %arg12[%get3A_122] {strides = array<i32>} : memref<768xf32, #tpu.memory_space<vmem>>, vector<16xf32>,
      %add3A_124 = arith.addf %add3A_115, %get3A_123 : vector<16xf32>
      %get3A_125 = arith.constant 240 : index
      %get3A_126 = tpu.vector_load %arg12[%get3A_125] {strides = array<i32>} : memref<768xf32, #tpu.memory_space<vmem>>, vector<16xf32>,
      %add3A_127 = arith.addf %add3A_118, %get3A_126 : vector<16xf32>
      %get3A_128 = arith.constant 256 : index
      %get3A_129 = tpu.vector_load %arg12[%get3A_128] {strides = array<i32>} : memref<768xf32, #tpu.memory_space<vmem>>, vector<16xf32>,
      %add3A_130 = arith.addf %add3A_121, %get3A_129 : vector<16xf32>
      %get3A_131 = arith.constant 272 : index
      %get3A_132 = tpu.vector_load %arg12[%get3A_131] {strides = array<i32>} : memref<768xf32, #tpu.memory_space<vmem>>, vector<16xf32>,
      %add3A_133 = arith.addf %add3A_124, %get3A_132 : vector<16xf32>
      %get3A_134 = arith.constant 288 : index
      %get3A_135 = tpu.vector_load %arg12[%get3A_134] {strides = array<i32>} : memref<768xf32, #tpu.memory_space<vmem>>, vector<16xf32>,
      %add3A_136 = arith.addf %add3A_127, %get3A_135 : vector<16xf32>
      %get3A_137 = arith.constant 304 : index
      %get3A_138 = tpu.vector_load %arg12[%get3A_137] {strides = array<i32>} : memref<768xf32, #tpu.memory_space<vmem>>, vector<16xf32>,
      %add3A_139 = arith.addf %add3A_130, %get3A_138 : vector<16xf32>
      %get3A_140 = arith.constant 320 : index
      %get3A_141 = tpu.vector_load %arg12[%get3A_140] {strides = array<i32>} : memref<768xf32, #tpu.memory_space<vmem>>, vector<16xf32>,
      %add3A_142 = arith.addf %add3A_133, %get3A_141 : vector<16xf32>
      %get3A_143 = arith.constant 336 : index
      %get3A_144 = tpu.vector_load %arg12[%get3A_143] {strides = array<i32>} : memref<768xf32, #tpu.memory_space<vmem>>, vector<16xf32>,
      %add3A_145 = arith.addf %add3A_136, %get3A_144 : vector<16xf32>
      %get3A_146 = arith.constant 352 : index
      %get3A_147 = tpu.vector_load %arg12[%get3A_146] {strides = array<i32>} : memref<768xf32, #tpu.memory_space<vmem>>, vector<16xf32>,
      %add3A_148 = arith.addf %add3A_139, %get3A_147 : vector<16xf32>
      %get3A_149 = arith.constant 368 : index
      %get3A_150 = tpu.vector_load %arg12[%get3A_149] {strides = array<i32>} : memref<768xf32, #tpu.memory_space<vmem>>, vector<16xf32>,
      %add3A_151 = arith.addf %add3A_142, %get3A_150 : vector<16xf32>
      %get3A_152 = arith.constant 384 : index
      %get3A_153 = tpu.vector_load %arg12[%get3A_152] {strides = array<i32>} : memref<768xf32, #tpu.memory_space<vmem>>, vector<16xf32>,
      %add3A_154 = arith.addf %add3A_145, %get3A_153 : vector<16xf32>
      %get3A_155 = arith.constant 400 : index
      %get3A_156 = tpu.vector_load %arg12[%get3A_155] {strides = array<i32>} : memref<768xf32, #tpu.memory_space<vmem>>, vector<16xf32>,
      %add3A_157 = arith.addf %add3A_148, %get3A_156 : vector<16xf32>
      %get3A_158 = arith.constant 416 : index
      %get3A_159 = tpu.vector_load %arg12[%get3A_158] {strides = array<i32>} : memref<768xf32, #tpu.memory_space<vmem>>, vector<16xf32>,
      %add3A_160 = arith.addf %add3A_151, %get3A_159 : vector<16xf32>
      %get3A_161 = arith.constant 432 : index
      %get3A_162 = tpu.vector_load %arg12[%get3A_161] {strides = array<i32>} : memref<768xf32, #tpu.memory_space<vmem>>, vector<16xf32>,
      %add3A_163 = arith.addf %add3A_154, %get3A_162 : vector<16xf32>
      %get3A_164 = arith.constant 448 : index
      %get3A_165 = tpu.vector_load %arg12[%get3A_164] {strides = array<i32>} : memref<768xf32, #tpu.memory_space<vmem>>, vector<16xf32>,
      %add3A_166 = arith.addf %add3A_157, %get3A_165 : vector<16xf32>
      %get3A_167 = arith.constant 464 : index
      %get3A_168 = tpu.vector_load %arg12[%get3A_167] {strides = array<i32>} : memref<768xf32, #tpu.memory_space<vmem>>, vector<16xf32>,
      %add3A_169 = arith.addf %add3A_160, %get3A_168 : vector<16xf32>
      %get3A_170 = arith.constant 480 : index
      %get3A_171 = tpu.vector_load %arg12[%get3A_170] {strides = array<i32>} : memref<768xf32, #tpu.memory_space<vmem>>, vector<16xf32>,
      %add3A_172 = arith.addf %add3A_163, %get3A_171 : vector<16xf32>
      %get3A_173 = arith.constant 496 : index
      %get3A_174 = tpu.vector_load %arg12[%get3A_173] {strides = array<i32>} : memref<768xf32, #tpu.memory_space<vmem>>, vector<16xf32>,
      %add3A_175 = arith.addf %add3A_166, %get3A_174 : vector<16xf32>
      %get3A_176 = arith.constant 512 : index
      %get3A_177 = tpu.vector_load %arg12[%get3A_176] {strides = array<i32>} : memref<768xf32, #tpu.memory_space<vmem>>, vector<16xf32>,
      %add3A_178 = arith.addf %add3A_169, %get3A_177 : vector<16xf32>
      %get3A_179 = arith.constant 528 : index
      %get3A_180 = tpu.vector_load %arg12[%get3A_179] {strides = array<i32>} : memref<768xf32, #tpu.memory_space<vmem>>, vector<16xf32>,
      %add3A_181 = arith.addf %add3A_172, %get3A_180 : vector<16xf32>
      %get3A_182 = arith.constant 544 : index
      %get3A_183 = tpu.vector_load %arg12[%get3A_182] {strides = array<i32>} : memref<768xf32, #tpu.memory_space<vmem>>, vector<16xf32>,
      %add3A_184 = arith.addf %add3A_175, %get3A_183 : vector<16xf32>
      %get3A_185 = arith.constant 560 : index
      %get3A_186 = tpu.vector_load %arg12[%get3A_185] {strides = array<i32>} : memref<768xf32, #tpu.memory_space<vmem>>, vector<16xf32>,
      %add3A_187 = arith.addf %add3A_178, %get3A_186 : vector<16xf32>
      %get3A_188 = arith.constant 576 : index
      %get3A_189 = tpu.vector_load %arg12[%get3A_188] {strides = array<i32>} : memref<768xf32, #tpu.memory_space<vmem>>, vector<16xf32>,
      %add3A_190 = arith.addf %add3A_181, %get3A_189 : vector<16xf32>
      %get3A_191 = arith.constant 592 : index
      %get3A_192 = tpu.vector_load %arg12[%get3A_191] {strides = array<i32>} : memref<768xf32, #tpu.memory_space<vmem>>, vector<16xf32>,
      %add3A_193 = arith.addf %add3A_184, %get3A_192 : vector<16xf32>
      %get3A_194 = arith.constant 608 : index
      %get3A_195 = tpu.vector_load %arg12[%get3A_194] {strides = array<i32>} : memref<768xf32, #tpu.memory_space<vmem>>, vector<16xf32>,
      %add3A_196 = arith.addf %add3A_187, %get3A_195 : vector<16xf32>
      %get3A_197 = arith.constant 624 : index
      %get3A_198 = tpu.vector_load %arg12[%get3A_197] {strides = array<i32>} : memref<768xf32, #tpu.memory_space<vmem>>, vector<16xf32>,
      %add3A_199 = arith.addf %add3A_190, %get3A_198 : vector<16xf32>
      %get3A_200 = arith.constant 640 : index
      %get3A_201 = tpu.vector_load %arg12[%get3A_200] {strides = array<i32>} : memref<768xf32, #tpu.memory_space<vmem>>, vector<16xf32>,
      %add3A_202 = arith.addf %add3A_193, %get3A_201 : vector<16xf32>
      %get3A_203 = arith.constant 656 : index
      %get3A_204 = tpu.vector_load %arg12[%get3A_203] {strides = array<i32>} : memref<768xf32, #tpu.memory_space<vmem>>, vector<16xf32>,
      %add3A_205 = arith.addf %add3A_196, %get3A_204 : vector<16xf32>
      %get3A_206 = arith.constant 672 : index
      %get3A_207 = tpu.vector_load %arg12[%get3A_206] {strides = array<i32>} : memref<768xf32, #tpu.memory_space<vmem>>, vector<16xf32>,
      %add3A_208 = arith.addf %add3A_199, %get3A_207 : vector<16xf32>
      %get3A_209 = arith.constant 688 : index
      %get3A_210 = tpu.vector_load %arg12[%get3A_209] {strides = array<i32>} : memref<768xf32, #tpu.memory_space<vmem>>, vector<16xf32>,
      %add3A_211 = arith.addf %add3A_202, %get3A_210 : vector<16xf32>
      %get3A_212 = arith.constant 704 : index
      %get3A_213 = tpu.vector_load %arg12[%get3A_212] {strides = array<i32>} : memref<768xf32, #tpu.memory_space<vmem>>, vector<16xf32>,
      %add3A_214 = arith.addf %add3A_205, %get3A_213 : vector<16xf32>
      %get3A_215 = arith.constant 720 : index
      %get3A_216 = tpu.vector_load %arg12[%get3A_215] {strides = array<i32>} : memref<768xf32, #tpu.memory_space<vmem>>, vector<16xf32>,
      %add3A_217 = arith.addf %add3A_208, %get3A_216 : vector<16xf32>
      %get3A_218 = arith.constant 736 : index
      %get3A_219 = tpu.vector_load %arg12[%get3A_218] {strides = array<i32>} : memref<768xf32, #tpu.memory_space<vmem>>, vector<16xf32>,
      %add3A_220 = arith.addf %add3A_211, %get3A_219 : vector<16xf32>
      %get3A_221 = arith.constant 752 : index
      %get3A_222 = tpu.vector_load %arg12[%get3A_221] {strides = array<i32>} : memref<768xf32, #tpu.memory_space<vmem>>, vector<16xf32>,
      %add3A_223 = arith.addf %add3A_214, %get3A_222 : vector<16xf32>
      %lt3A = arith.constant 10 : i32
      %lt3A_224 = vector.broadcast %lt3A : i32 to vector<16xi32>
      %lt3A_225 = arith.cmpi slt, %iota3A, %lt3A_224 : vector<16xi32>
      %add3A_226 = arith.constant 1.000000e+00 : f32
      %add3A_227 = vector.broadcast %add3A_226 : f32 to vector<16xf32>
      %add3A_228 = arith.addf %add3A_217, %add3A_227 : vector<16xf32>
      %div3A = arith.constant 5.000000e-01 : f32
      %div3A_229 = vector.broadcast %div3A : f32 to vector<16xf32>
      %div3A_230 = arith.divf %div3A_229, %add3A_228 : vector<16xf32>
      %mul3A_231 = arith.mulf %add3A_217, %get3A_28 : vector<16xf32>
      %sub3A = arith.subf %mul3A_231, %add3A_220 : vector<16xf32>
      %mul3A_232 = arith.mulf %sub3A, %div3A_230 : vector<16xf32>
      %sub3A_233 = arith.subf %get3A_28, %mul3A_232 : vector<16xf32>
      %mul3A_234 = arith.mulf %add3A_217, %get3A_30 : vector<16xf32>
      %sub3A_235 = arith.subf %mul3A_234, %add3A_223 : vector<16xf32>
      %mul3A_236 = arith.mulf %sub3A_235, %div3A_230 : vector<16xf32>
      %sub3A_237 = arith.subf %get3A_30, %mul3A_236 : vector<16xf32>
      tpu.vector_store_idx %arg13[%iota3A], %sub3A_233 masked %lt3A_225 : memref<32xf32, #tpu.memory_space<vmem>>[vector<16xi32>], vector<16xf32>, vector<16xi1>
      %add3A_238 = arith.constant 10 : i32
      %add3A_239 = vector.broadcast %add3A_238 : i32 to vector<16xi32>
      %add3A_240 = arith.addi %iota3A, %add3A_239 : vector<16xi32>
      tpu.vector_store_idx %arg13[%add3A_240], %sub3A_237 masked %lt3A_225 : memref<32xf32, #tpu.memory_space<vmem>>[vector<16xi32>], vector<16xf32>, vector<16xi1>
      "tpu.region"() ({
        %run_scoped3A = tpu.sem_alloc : memref<!tpu.dma_semaphore, #tpu.memory_space<semaphore_mem>>
        %dma_start3A_241 = arith.constant 0 : i32
        %dma_start3A_242 = tpu.memref_slice %arg13[%dma_start3A_241] : memref<32xf32, #tpu.memory_space<vmem>> -> memref<20xf32, #tpu.memory_space<vmem>>
        %dma_start3A_243 = arith.constant 0 : i32
        %dma_start3A_244 = tpu.memref_slice %arg13[%dma_start3A_243] : memref<32xf32, #tpu.memory_space<vmem>> -> memref<20xf32, #tpu.memory_space<vmem>>
        tpu.enqueue_dma source(%dma_start3A_244 : memref<20xf32, #tpu.memory_space<vmem>>) target(%arg6 : memref<20xf32, #tpu.memory_space<hbm>>) target_semaphore(%run_scoped3A : memref<!tpu.dma_semaphore, #tpu.memory_space<semaphore_mem>>)
        %dma_wait3A_245 = arith.constant 0 : i32
        %dma_wait3A_246 = tpu.memref_slice %arg13[%dma_wait3A_245] : memref<32xf32, #tpu.memory_space<vmem>> -> memref<20xf32, #tpu.memory_space<vmem>>
        %dma_wait3A_247 = arith.constant 0 : i32
        %dma_wait3A_248 = tpu.memref_slice %arg13[%dma_wait3A_247] : memref<32xf32, #tpu.memory_space<vmem>> -> memref<20xf32, #tpu.memory_space<vmem>>
        tpu.wait_dma2 semaphore(%run_scoped3A : memref<!tpu.dma_semaphore, #tpu.memory_space<semaphore_mem>>) src(%dma_wait3A_248 : memref<20xf32, #tpu.memory_space<vmem>>) dst(%arg6 : memref<20xf32, #tpu.memory_space<hbm>>)
        tpu.yield
      }) : () -> ()
    } else {
    }
    %dma_wait3A_78 = tpu.memref_slice %arg5[%mul3A_0] : memref<16384xf32, #tpu.memory_space<hbm>> -> memref<1024xf32, #tpu.memory_space<hbm>>
    %dma_wait3A_79 = tpu.memref_slice %arg5[%mul3A_0] : memref<16384xf32, #tpu.memory_space<hbm>> -> memref<1024xf32, #tpu.memory_space<hbm>>
    tpu.wait_dma2 semaphore(%arg16 : memref<!tpu.dma_semaphore, #tpu.memory_space<semaphore_mem>>) src(%arg9 : memref<1024xf32, #tpu.memory_space<vmem>>) dst(%dma_wait3A_79 : memref<1024xf32, #tpu.memory_space<hbm>>)
    return
  }
}

</mosaic_0001>

<sc_bundles>
// kernel: kernel.3.cloned.1.call-start
scs
__scs_entry_jumppad:
0x0: {  	(pc) =	sbr.rel $0x88, $3  }
0x1: {  	(tag) =	ssettag $0x0;
	lr =	simm.s32 $0x1  }
0x2: {  	[smem:$0x3F9E] =	sst lr;
	_ =	strace $0xD0000000  }
0x3: {  	_ = 	snop  }
0x4: {  	_ = 	snop  }
0x5: {  	_ = 	snop  }
0x6: {  	_ = 	snop  }
0x7: {  	_ = 	snop  }
__scs_overlays_trampoline_lowered:
0x8: {  	[smem:$0x3FAD] =	sst s0  }
0x9: {  	[smem:$0x3FAE] =	sst s1  }
0xa: {  	[smem:$0x3FAF] =	sst s2  }
0xb: {  	[smem:$0x3FB0] =	sst s3  }
0xc: {  	[smem:$0x3FB1] =	sst s4  }
0xd: {  	[smem:$0x3FB2] =	sst s5  }
0xe: {  	[smem:$0x3FB3] =	sst s6  }
0xf: {  	[smem:$0x3FB4] =	sst s7  }
0x10: {  	[smem:$0x3FB5] =	sst s8  }
0x11: {  	[smem:$0x3FB6] =	sst s9;
	s0 =	simm.s32 @!p0 $0x0  }
0x12: {  	s1 =	sld [smem:$0x3F9C];
	s0 =	simm.s32 @p0 $0x1  }
0x13: {  	[smem:$0x3FB7] =	sst s0;
	s0 =	simm.s32 @!p1 $0x0  }
0x14: {  	s2 =	sld [smem:$0x3F9B];
	s0 =	simm.s32 @p1 $0x1  }
0x15: {  	[smem:$0x3FB8] =	sst s0;
	s0 =	simm.s32 @!p2 $0x0  }
0x16: {  	s3 =	sld [smem:$0x3FDB];
	s0 =	simm.s32 @p2 $0x1  }
0x17: {  	s4 =	simm.s32 $0x1BF5;
	[smem:$0x3FBA] =	sst s0  }
0x18: {  	s0 =	sld [smem:$0x3F9D];
	_ =	swait.ge [sflag:s4], $0x0  }
0x19: {  	s7 =	sld [smem:$0x3F9E]  }
0x1a: {  	s8 =	sadd.s32 $0xFFFFE003, lr  }
0x1b: {  	s9 =	sadd.s32 $0xFFFFFEF7, lr;
	s5 =	simm.s32 $0xFFFFFFFF;
	p2 =	slt.u32 s8, $0xFFFFF086  }
0x1c: {  	p1 =	slt.u32 s9, $0xF7A;
	s5 =	simm.s32 @!p2 $0x0  }
0x1d: {  	s5 =	simm.s32 @p1 $0x1;
	p0 =	seq.s32 s7, s2  }
0x1e: {  	s7 =	smul.u32 @!p0 $0xF7A, s2;
	p2 =	seq.s32 @!p0 s5, $0x0  }
0x1f: {  	s9 =	smul.u32 $0xF7A, s1;
	s8 =	simm.s32 @!p0 $0x1BF5;
	p2 =	por !p2, p0  }
0x20: {  	[sflag:s8] =	ssyncset.s32 @!p0 $0xFFFFF086;
	s6 =	sadd.s32 @!p0 s3, s7;
	s7 =	simm.s32 @!p0 $0x108  }
0x21: {  	s3 =	sadd.s32 s3, s9;
	s6 =	sadd.s32 @!p0 $0x88, s6;
	s7 =	simm.s32 @p2 $0x1082  }
0x22: {  	[simem:s7], [sflag:s8] =	dma.local @!p0 [hbm:s6], $0xF7A  }
0x23: {  	s9 =	sor.u32 $0xD0000000, s2;
	s6 =	simm.s32 $0x108;
	_ =	swait.ge @!p0 [sflag:s8], $0x0  }
0x24: {  	s3 =	sadd.s32 $0x88, s3;
	s6 =	simm.s32 @!p1 $0x1082;
	[sflag:s4] =	ssyncset.s32 $0xFFFFF086  }
0x25: {  	[simem:s6], [sflag:s4] =	dma.local [hbm:s3], $0xF7A  }
0x26: {  	[smem:$0x3F9E] =	sst s1;
	(tag) =	ssettag s2;
	_ =	strace s9  }
0x27: {  	s1 =	sld [smem:$0x3FAE]  }
0x28: {  	s2 =	sld [smem:$0x3FAF]  }
0x29: {  	s4 =	sld [smem:$0x3FB1]  }
0x2a: {  	p0 =	seq.s32 s5, $0x0;
	s5 =	sld [smem:$0x3FB2]  }
0x2b: {  	s6 =	sld [smem:$0x3FB3]  }
0x2c: {  	s7 =	sld [smem:$0x3FB4]  }
0x2d: {  	s3 =	simm.s32 $0x108;
	s8 =	sld [smem:$0x3FB5]  }
0x2e: {  	s3 =	simm.s32 @!p0 $0x1082;
	s9 =	sld [smem:$0x3FB6]  }
0x2f: {  	lr =	sadd.s32 s0, s3;
	s0 =	sld [smem:$0x3FAD]  }
0x30: {  	s3 =	sld [smem:$0x3FB0]  }
0x31: {  	[smem:$0x3FB9] =	sst s10  }
0x32: {  	s10 =	sld [smem:$0x3FB7];
	_ =	sdelay $0x3  }
0x33: {  	p0 =	seq.s32 s10, $0x1;
	s10 =	sld [smem:$0x3FB9];
	_ =	sdelay $0x3  }
0x34: {  	[smem:$0x3FB9] =	sst s10  }
0x35: {  	s10 =	sld [smem:$0x3FB8];
	_ =	sdelay $0x3  }
0x36: {  	p1 =	seq.s32 s10, $0x1;
	s10 =	sld [smem:$0x3FB9];
	_ =	sdelay $0x3  }
0x37: {  	[smem:$0x3FB9] =	sst s10  }
0x38: {  	s10 =	sld [smem:$0x3FBA]  }
0x39: {  	_ = 	snop;
	(pc) =	sbr.ind lr, $3  }
0x3a: {  	_ = 	snop  }
0x3b: {  	_ = 	snop  }
0x3c: {  	p2 =	seq.s32 s10, $0x1;
	s10 =	sld [smem:$0x3FB9]  }
0x3d: {  	_ =	shalt  }
0x3e: {  	_ =	shalt  }
0x3f: {  	_ =	shalt  }
0x40: {  	_ =	shalt  }
0x41: {  	_ =	shalt  }
0x42: {  	_ =	shalt  }
0x43: {  	_ =	shalt  }
0x44: {  	_ =	shalt  }
0x45: {  	_ =	shalt  }
0x46: {  	_ =	shalt  }
0x47: {  	_ =	shalt  }
0x48: {  	_ =	shalt  }
0x49: {  	_ =	shalt  }
0x4a: {  	_ =	shalt  }
0x4b: {  	_ =	shalt  }
0x4c: {  	_ =	shalt  }
0x4d: {  	_ =	shalt  }
0x4e: {  	_ =	shalt  }
0x4f: {  	_ =	shalt  }
0x50: {  	_ =	shalt  }
0x51: {  	_ =	shalt  }
0x52: {  	_ =	shalt  }
0x53: {  	_ =	shalt  }
0x54: {  	_ =	shalt  }
0x55: {  	_ =	shalt  }
0x56: {  	_ =	shalt  }
0x57: {  	_ =	shalt  }
0x58: {  	_ =	shalt  }
0x59: {  	_ =	shalt  }
0x5a: {  	_ =	shalt  }
0x5b: {  	_ =	shalt  }
0x5c: {  	_ =	shalt  }
0x5d: {  	_ =	shalt  }
0x5e: {  	_ =	shalt  }
0x5f: {  	_ =	shalt  }
0x60: {  	_ =	shalt  }
0x61: {  	_ =	shalt  }
0x62: {  	_ =	shalt  }
0x63: {  	_ =	shalt  }
0x64: {  	_ =	shalt  }
0x65: {  	_ =	shalt  }
0x66: {  	_ =	shalt  }
0x67: {  	_ =	shalt  }
0x68: {  	_ =	shalt  }
0x69: {  	_ =	shalt  }
0x6a: {  	_ =	shalt  }
0x6b: {  	_ =	shalt  }
0x6c: {  	_ =	shalt  }
0x6d: {  	_ =	shalt  }
0x6e: {  	_ =	shalt  }
0x6f: {  	_ =	shalt  }
0x70: {  	_ =	shalt  }
0x71: {  	_ =	shalt  }
0x72: {  	_ =	shalt  }
0x73: {  	_ =	shalt  }
0x74: {  	_ =	shalt  }
0x75: {  	_ =	shalt  }
0x76: {  	_ =	shalt  }
0x77: {  	_ =	shalt  }
0x78: {  	_ =	shalt  }
0x79: {  	_ =	shalt  }
0x7a: {  	_ =	shalt  }
0x7b: {  	_ =	shalt  }
0x7c: {  	_ =	shalt  }
0x7d: {  	_ =	shalt  }
0x7e: {  	_ =	shalt  }
0x7f: {  	_ =	shalt  }
0x80: {  	_ =	shalt  }
0x81: {  	_ =	shalt  }
0x82: {  	_ =	shalt  }
0x83: {  	_ =	shalt  }
0x84: {  	_ =	shalt  }
0x85: {  	_ =	shalt  }
0x86: {  	_ =	shalt  }
0x87: {  	_ =	shalt  }
.Lfunc_end0:
.L_simem_size_0:
called_computation_lowered:
.L_overlay_start_0:
0x88: {  	s0 =	sld [smem:$0x3FD9]  }
0x89: {  	s1 =	sld [smem:$0x3FFE];
	_ =	sdelay $0x3  }
0x8a: {  	s0 =	sadd.s32 s1, s0  }
0x8b: {  	[smem:$0x3FC5] =	sst s0  }
0x8c: {  	_ = 	snop  }
0x8d: {  	s0 =	sld [smem:$0x3FD0];
	_ =	sdelay $0x2  }
0x8e: {  	s2 =	simm.s32 $0xA;
	s3 =	simm.s32 $0x10;
	s13 =	sld [smem:$0x3FC8]  }
0x8f: {  	[smem:s3], [sflag:s2] =	dma.local [hbm:s0], $0x1  }
0x90: {  	_ =	swait.eq [sflag:s2], $0x1  }
0x91: {  	[sflag:s2] =	ssyncset.done $0x0  }
0x92: {  	s14 =	sld [smem:$0x10];
	[sflag:s2] =	ssyncadd.s32 $0xFFFFFFFF  }
0x93: {  	s15 =	sld [smem:$0x11];
	(tm) =	ssettm $0x1  }
0x94: {  	s16 =	sld [smem:$0x3FFB];
	_ =	sdelay $0x3  }
0x95: {  	_ =	strace s16  }
0x96: {  	s3 =	sld [smem:$0x3FFC];
	_ =	sdelay $0x3  }
0x97: {  	_ =	strace s3  }
0x98: {  	s3 =	sld [smem:$0x3FFD];
	_ =	sdelay $0x3  }
0x99: {  	_ =	strace s3  }
0x9a: {  	_ =	strace $0x8FFFFFFF  }
0x9b: {  	s17 =	sld [smem:$0x3FDB];
	_ =	sdelay $0x1  }
0x9c: {  	s4 =	simm.s32 $_scs_section_size  }
0x9d: {  	s5 =	simm.s32 $_size__tile_overlayer_lowered;
	s6 =	simm.s32 $_tile_overlayer_lowered  }
0x9e: {  	s20 =	simm.s32 $0x1BFF;
	s19 =	sshll.u32 s6, $0x1;
	s3 =	sadd.s32 s4, s17  }
0x9f: {  	s7 =	simm.s32 $0x0;
	s18 =	sshll.u32 s5, $0x1;
	s5 =	sadd.s32 s19, s3  }
0xa0: {  	[timem:s7], [sflag:s20] =	dma.local [hbm:s5], s18  }
0xa1: {  	_ =	swait.ge [sflag:s20], s18  }
0xa2: {  	s4 =	ssub.s32 $0x0, s18;
	[sflag:s20] =	ssyncset.done $0x0  }
0xa3: {  	[sflag:s20] =	ssyncadd.s32 s4;
	_ =	sdelay $0x1  }
0xa4: {  	s21 =	simm.s32 $0x1B8B  }
0xa5: {  	_ =	swait.ge [sflag:s21], $0x1  }
0xa6: {  	[sflag:s21] =	ssyncset.done $0x0  }
0xa7: {  	s23 =	simm.s32 $0x1B8E;
	s22 =	sld [smem:$0x3FFE];
	[sflag:s21] =	ssyncadd.s32 $0xFFFFFFFF  }
0xa8: {  	s24 =	simm.s32 $execute0_lowered;
	[smem:$0x3FD2] =	sst s23  }
0xa9: {  	s5 =	sshll.u32 s24, $0x1;
	_ =	strace $0x80000046;
	[dreg:$0x1] =	wrdreg $0xFFFFFFFF  }
0xaa: {  	s25 =	simm.s32 $_size_execute0_lowered;
	s3 =	sadd.s32 s3, s5;
	[dreg:$0x0] =	wrdreg $0x0  }
0xab: {  	s5 =	sshll.u32 s25, $0x1;
	[dreg:$0x2] =	wrdreg s3  }
0xac: {  	[dreg:$0x3] =	wrdreg s5  }
0xad: {  	[dreg:$0x4] =	wrdreg $0xC0  }
0xae: {  	_ =	task [dreg:s7], $0x5FFFF  }
0xaf: {  	[dreg:$0x1] =	wrdreg $0xFFFFFFFF  }
0xb0: {  	[dreg:$0x0] =	wrdreg $0x60  }
0xb1: {  	[dreg:$0x2] =	wrdreg s22  }
0xb2: {  	[dreg:$0x3] =	wrdreg s13  }
0xb3: {  	[dreg:$0x4] =	wrdreg s15  }
0xb4: {  	[dreg:$0x5] =	wrdreg s14  }
0xb5: {  	[dreg:$0x6] =	wrdreg $0x14800  }
0xb6: {  	[dreg:$0x7] =	wrdreg $0x9  }
0xb7: {  	_ =	task.clear_ibuf [dreg:s7], $0x8FFFF;
	_ =	strace $0x90000046  }
0xb8: {  	s26 =	simm.s32 $0x9;
	_ =	strace $0x80000048  }
0xb9: {  	_ =	swait.ge [sflag:s26], $0x1  }
0xba: {  	[sflag:s26] =	ssyncadd.s32 $0xFFFFFFFF  }
0xbb: {  	_ =	strace $0x90000048  }
0xbc: {  	_ =	sfence  }
0xbd: {  	s28 =	sld [smem:$0x0];
	_ =	sdelay $0x1  }
0xbe: {  	s29 =	srdreg.scid  }
0xbf: {  	s30 =	sshll.u32 s29, $0xD;
	s31 =	sshrl.u32 s29, $0x2  }
0xc0: {  	s1 =	sand.u32 $0x1, s29;
	s2 =	sand.u32 $0x4000, s30;
	s0 =	sadd.s32 s31, s28  }
0xc1: {  	s1 =	sor.u32 s2, s1;
	s0 =	sshll.u32 s0, $0x11  }
0xc2: {  	s0 =	sor.u32 s0, s1  }
0xc3: {  	s0 =	sadd.s32 $0x8F2B, s0  }
0xc4: {  	[sflag:s0] =	ssyncadd.remote.s32 $0x1  }
0xc5: {  	_ =	sfence.sel $0xFFFF  }
0xc6: {  	[dreg:$0x0] =	wrdreg $0xFFFFFFFF;
	(pc) =	sbr.abs _section_cstart, $3  }
0xc7: {  	[dreg:$0x1] =	wrdreg $0xFFFFFFFF  }
0xc8: {  	_ =	task.clear_ibuf [dreg:s7], $0x2FFFF;
	_ =	strace $0x9FFFFFFF  }
0xc9: {  	(tm) =	ssettm $0x7FFFFFFF  }
tec
execute0_lowered:
.L_overlay_start_1:
0x0: {  	(tag) =	ssettag $0x1  }
0x1: {  	s1 =	rddreg [dreg:$0x0]  }
0x2: {  	s6 =	rddreg [dreg:$0x1]  }
0x3: {  	s7 =	rddreg [dreg:$0x2]  }
0x4: {  	s4 =	rddreg [dreg:$0x3]  }
0x5: {  	s2 =	rddreg [dreg:$0x4]  }
0x6: {  	s0 =	rddreg [dreg:$0x5];
	s8 =	simm.s32 $0x0;
	s3 =	stileid.u32  }
0x7: {  	[smem:$0x7FF] =	sst s8;
	s5 =	sshll.u32 s3, $0x7  }
0x8: {  	_ =	strace $0x80000047;
	s9 =	sadd.s32 s5, s1;
	s6 =	sadd.s32 s6, s5  }
0x9: {  	[tilespmem:s8], [sflag:$0x1] =	stream.linear.gather [hbm4b:s6+s8], $0x400, $0x38;
	[tilespmem:$0x14B0] =	vst v63  }
0xa: {  	s10 =	sadd.s32 $0xC00, s9;
	s6 =	simm.s32 $0x400  }
0xb: {  	[tilespmem:s6], [sflag:$0x1] =	stream.linear.gather [hbm4b:s10+s8], $0x400, $0x38;
	[tilespmem:$0x14B0] =	vst v63  }
0xc: {  	s29 =	simm.s32 $0x800;
	s9 =	sadd.s32 $0x1400, s9  }
0xd: {  	[tilespmem:s29], [sflag:$0x1] =	stream.linear.gather [hbm4b:s9+s8], $0x400, $0x38;
	[tilespmem:$0x14B0] =	vst v63  }
0xe: {  	s30 =	simm.s32 $0x1000;
	s31 =	simm.s32 $0x1  }
0xf: {  	[tilespmem:s30], [sflag:$0x1] =	stream.linear.gather [hbm4b:s7+s8], $0x80, $0x38;
	[tilespmem:$0x14B0] =	vst v63  }
0x10: {  	_ =	swait.ge [sflag:s31], $0x400  }
0x11: {  	[sflag:s31] =	ssyncset.done $0x0  }
0x12: {  	[sflag:s31] =	ssyncadd.s32 $0xFFFFFC00  }
0x13: {  	_ =	swait.ge [sflag:s31], $0x400  }
0x14: {  	[sflag:s31] =	ssyncset.done $0x0  }
0x15: {  	[sflag:s31] =	ssyncadd.s32 $0xFFFFFC00  }
0x16: {  	_ =	swait.ge [sflag:s31], $0x400  }
0x17: {  	[sflag:s31] =	ssyncset.done $0x0  }
0x18: {  	[sflag:s31] =	ssyncadd.s32 $0xFFFFFC00  }
0x19: {  	_ =	swait.ge [sflag:s31], $0x80  }
0x1a: {  	[sflag:s31] =	ssyncset.done $0x0  }
0x1b: {  	v0 =	vimm.f32 $0.0e+00;
	[sflag:s31] =	ssyncadd.s32 $0xFFFFFF80  }
0x1c: {  	[tilespmem:$0x1080] =	vst v0  }
0x1d: {  	[tilespmem:$0x1090] =	vst v0  }
0x1e: {  	[tilespmem:$0x10A0] =	vst v0  }
0x1f: {  	[tilespmem:$0x10B0] =	vst v0  }
0x20: {  	[tilespmem:$0x10C0] =	vst v0  }
0x21: {  	s7 =	simm.s32 $0x10;
	[tilespmem:$0x10D0] =	vst v0  }
0x22: {  	v3 =	vld [tilespmem:s7+$0xFFFFFFF0]  }
0x23: {  	v0 =	vld [tilespmem:$0x1000]  }
0x24: {  	v1 =	vld [tilespmem:$0x1010]  }
0x25: {  	s8 =	sand.u32 $0x3E0, s8;
	v4 =	vld [tilespmem:s6+$0x0]  }
0x26: {  	v5 =	vld [tilespmem:s8+$0x800]  }
0x27: {  	vm0 =	vlt.s32 v3, $0x0;
	v6 =	vadd.s32 $0x10, v3  }
0x28: {  	v2 =	vsel vm0, v6, v3  }
0x29: {  	v7 =	vperm.xlane v0, v2;
	v2 =	vperm.xlane v1, v2;
	_ =	sdelay $0x1  }
0x2a: {  	v7 =	vsub.f32 v4, v7;
	v2 =	vsub.f32 v5, v2;
	_ =	sdelay $0x1  }
0x2b: {  	v7 =	vmul.f32 v7, v7;
	v2 =	vmul.f32 v2, v2;
	_ =	sdelay $0x1  }
0x2c: {  	v8 =	vadd.s32 $0x20, v3;
	v7 =	vadd.f32 v2, v7  }
0x2d: {  	s8 =	simm.s32 $0xC10  }
0x2e: {  	s9 =	simm.s32 $0x1080;
	v2 =	vimm.f32 $1.000000000e+00;
	[tilespmem:s8+$0xFFFFFFF0] =	vst v7  }
0x2f: {  	[tilespmem:v3+s9+$0x0] =	vst.idx.add.f32.msk $0xffff, v2  }
0x30: {  	[tilespmem:v6+s9+$0x0] =	vst.idx.add.f32.msk $0xffff, v4  }
0x31: {  	[tilespmem:v8+s9+$0x0] =	vst.idx.add.f32.msk $0xffff, v5  }
0x32: {  	v4 =	vld [tilespmem:s7+$0x0];
	_ =	sdelay $0x3  }
0x33: {  	v3 =	vld [tilespmem:s6+$0x410]  }
0x34: {  	v5 =	vld [tilespmem:s6+$0x10];
	v6 =	vshrl.u32 v4, $0x1B  }
0x35: {  	v6 =	vand.u32 $0x10, v6  }
0x36: {  	v6 =	vadd.s32 v4, v6  }
0x37: {  	v7 =	vperm.xlane v0, v6;
	v6 =	vperm.xlane v1, v6;
	_ =	sdelay $0x1  }
0x38: {  	v7 =	vsub.f32 v5, v7;
	v6 =	vsub.f32 v3, v6;
	_ =	sdelay $0x1  }
0x39: {  	v63 =	vadd.s32 $0x30, v4;
	v7 =	vmul.f32 v7, v7;
	v6 =	vmul.f32 v6, v6  }
0x3a: {  	v9 =	vadd.s32 $0x40, v4  }
0x3b: {  	v4 =	vadd.s32 $0x50, v4;
	v6 =	vadd.f32 v6, v7;
	_ =	sdelay $0x1  }
0x3c: {  	[tilespmem:s8+$0x0] =	vst v6  }
0x3d: {  	[tilespmem:v63+s9+$0x0] =	vst.idx.add.f32.msk $0xffff, v2  }
0x3e: {  	s1 =	sadd.s32 $0x1C00, s1;
	s10 =	simm.s32 $0x20;
	[tilespmem:v9+s9+$0x0] =	vst.idx.add.f32.msk $0xffff, v5  }
.LBB2_1:
0x3f: {  	[tilespmem:v4+s9+$0x0] =	vst.idx.add.f32.msk $0xffff, v3;
	s6 =	sadd.s32 $0x20, s6;
	s7 =	sadd.s32 $0x20, s7;
	s8 =	sadd.s32 $0x20, s8  }
0x40: {  	p0 =	sne.s32 s10, $0x3E0;
	s11 =	smov.u32 s10;
	s10 =	sadd.s32 $0x20, s10;
	v3 =	vld [tilespmem:s7+$0xFFFFFFF0]  }
0x41: {  	_ =	sdelay $0x1  }
0x42: {  	s11 =	sand.u32 $0x3E0, s11;
	v4 =	vld [tilespmem:s6+$0x0]  }
0x43: {  	v5 =	vld [tilespmem:s11+$0x800]  }
0x44: {  	vm0 =	vlt.s32 v3, $0x0;
	v6 =	vadd.s32 $0x10, v3  }
0x45: {  	v7 =	vsel vm0, v6, v3  }
0x46: {  	v8 =	vperm.xlane v0, v7;
	v7 =	vperm.xlane v1, v7;
	_ =	sdelay $0x1  }
0x47: {  	v8 =	vsub.f32 v4, v8;
	v7 =	vsub.f32 v5, v7;
	_ =	sdelay $0x1  }
0x48: {  	v8 =	vmul.f32 v8, v8;
	v7 =	vmul.f32 v7, v7;
	_ =	sdelay $0x1  }
0x49: {  	v7 =	vadd.f32 v7, v8;
	v8 =	vadd.s32 $0x20, v3;
	_ =	sdelay $0x1  }
0x4a: {  	[tilespmem:s8+$0xFFFFFFF0] =	vst v7  }
0x4b: {  	[tilespmem:v3+s9+$0x0] =	vst.idx.add.f32.msk $0xffff, v2  }
0x4c: {  	[tilespmem:v6+s9+$0x0] =	vst.idx.add.f32.msk $0xffff, v4  }
0x4d: {  	[tilespmem:v8+s9+$0x0] =	vst.idx.add.f32.msk $0xffff, v5  }
0x4e: {  	v4 =	vld [tilespmem:s7+$0x0];
	_ =	sdelay $0x3  }
0x4f: {  	v3 =	vld [tilespmem:s6+$0x410]  }
0x50: {  	v5 =	vld [tilespmem:s6+$0x10];
	v6 =	vshrl.u32 v4, $0x1B  }
0x51: {  	v6 =	vand.u32 $0x10, v6  }
0x52: {  	v6 =	vadd.s32 v4, v6  }
0x53: {  	v7 =	vperm.xlane v0, v6;
	v6 =	vperm.xlane v1, v6;
	_ =	sdelay $0x1  }
0x54: {  	v7 =	vsub.f32 v5, v7;
	v6 =	vsub.f32 v3, v6;
	_ =	sdelay $0x1  }
0x55: {  	v8 =	vadd.s32 $0x30, v4;
	v7 =	vmul.f32 v7, v7;
	v6 =	vmul.f32 v6, v6  }
0x56: {  	v9 =	vadd.s32 $0x40, v4  }
.Ltmp0:
0x57: {  	v4 =	vadd.s32 $0x50, v4;
	v6 =	vadd.f32 v6, v7;
	(pc) =	sbr.rel @p0 .LBB2_1-.Ltmp0, $4  }
0x58: {  	_ = 	snop  }
0x59: {  	[tilespmem:s8+$0x0] =	vst v6  }
0x5a: {  	[tilespmem:v8+s9+$0x0] =	vst.idx.add.f32.msk $0xffff, v2  }
0x5b: {  	[tilespmem:v9+s9+$0x0] =	vst.idx.add.f32.msk $0xffff, v5  }
0x5c: {  	_ =	sdelay $0x3  }
0x5d: {  	[tilespmem:v4+s9+$0x0] =	vst.idx.add.f32.msk $0xffff, v3  }
0x5e: {  	v2 =	vld [tilespmem:$0x1080]  }
0x5f: {  	v3 =	vld [tilespmem:$0x10B0]  }
0x60: {  	v4 =	vld [tilespmem:$0x1090]  }
0x61: {  	v5 =	vld [tilespmem:$0x10C0]  }
0x62: {  	v6 =	vld [tilespmem:$0x10A0]  }
0x63: {  	v7 =	vld [tilespmem:$0x10D0];
	_ =	sdelay $0x2  }
0x64: {  	v2 =	vadd.f32 v3, v2  }
0x65: {  	v3 =	vadd.f32 v5, v4  }
0x66: {  	s6 =	smul.u32 $0xC0, s3;
	[tilespmem:$0x1080] =	vst v2;
	v2 =	vadd.f32 v7, v6  }
0x67: {  	s5 =	sadd.s32 s4, s5;
	[tilespmem:$0x1090] =	vst v3  }
0x68: {  	s4 =	simm.s32 $0x0;
	s7 =	simm.s32 $0xC00;
	s30 =	sshrl.u32 s6, $0x2;
	[tilespmem:$0x10A0] =	vst v2  }
0x69: {  	[hbm4b:s5+s4] =	stream.linear.scatter [tilespmem:s7], [sflag:$0x2], $0x400, $0x38;
	[tilespmem:$0x14B0] =	vst v63  }
0x6a: {  	s31 =	simm.s32 $0x1080;
	s5 =	sadd.s32 s30, s2  }
0x6b: {  	[spmem:s5] =	stream.linear.scatter [tilespmem:s31], [sflag:$0x3], $0x30, $0x38;
	[tilespmem:$0x14B0] =	vst v63  }
0x6c: {  	s5 =	simm.s32 $0x3  }
0x6d: {  	_ =	swait.ge [sflag:s5], $0x30  }
0x6e: {  	[sflag:s5] =	ssyncset.done $0x0  }
0x6f: {  	p0 =	sne.s32 s3, $0x0;
	[sflag:s5] =	ssyncadd.s32 $0xFFFFFFD0  }
0x70: {  	s0 =	simm.s32 @p0 $0x2;
	[bflag:$0x0] =	sbarrier.arrive $0xFFFF  }
0x71: {  	_ =	swait.ge @p0 [sflag:s0], $0x400  }
0x72: {  	[sflag:s0] =	ssyncset.done @p0 $0x0  }
0x73: {  	[sflag:s0] =	ssyncadd.s32 @p0 $0xFFFFFC00  }
0x74: {  	_ =	sfence.sel @p0 $0x180000  }
0x75: {  	[bflag:$0x0] =	sbarrier.arrive @p0 $0xFFFF  }
0x76: {  	_ =	strace @p0 $0x90000047  }
0x77: {  	[bflag:$0x2] =	sbarrier.arrive @p0 $0xFFFF  }
0x78: {  	_ =	shalt @p0  }
.LBB2_3:
0x79: {  	s3 =	simm.s32 $0x1100  }
0x7a: {  	[tilespmem:s3], [sflag:$0x3] =	stream.linear.gather [spmem:s2], $0x300, $0x38;
	[tilespmem:$0x14B0] =	vst v63  }
0x7b: {  	_ =	swait.ge [sflag:s5], $0x300  }
0x7c: {  	[sflag:s5] =	ssyncset.done $0x0  }
0x7d: {  	[sflag:s5] =	ssyncadd.s32 $0xFFFFFD00  }
0x7e: {  	v2 =	vld [tilespmem:$0x1100]  }
0x7f: {  	v3 =	vld [tilespmem:$0x1110]  }
0x80: {  	v4 =	vld [tilespmem:$0x1120]  }
0x81: {  	v5 =	vld [tilespmem:$0x1130]  }
0x82: {  	v6 =	vld [tilespmem:$0x1140]  }
0x83: {  	v7 =	vld [tilespmem:$0x1150]  }
0x84: {  	v8 =	vld [tilespmem:$0x1160]  }
0x85: {  	v9 =	vld [tilespmem:$0x1170]  }
0x86: {  	v10 =	vld [tilespmem:$0x1180]  }
0x87: {  	v11 =	vld [tilespmem:$0x1190];
	v2 =	vadd.f32 $0.0e+00, v2  }
0x88: {  	v12 =	vld [tilespmem:$0x11A0]  }
0x89: {  	v26 =	vld [tilespmem:$0x11B0];
	v2 =	vadd.f32 v5, v2  }
0x8a: {  	v13 =	vld [tilespmem:$0x11C0]  }
0x8b: {  	v27 =	vld [tilespmem:$0x11D0];
	v2 =	vadd.f32 v8, v2  }
0x8c: {  	v14 =	vld [tilespmem:$0x11F0]  }
0x8d: {  	v28 =	vld [tilespmem:$0x11E0];
	v2 =	vadd.f32 v11, v2  }
0x8e: {  	v15 =	vld [tilespmem:$0x1220]  }
0x8f: {  	v29 =	vld [tilespmem:$0x1200];
	v2 =	vadd.f32 v13, v2  }
0x90: {  	v16 =	vld [tilespmem:$0x1250]  }
0x91: {  	v30 =	vld [tilespmem:$0x1210];
	v2 =	vadd.f32 v14, v2  }
0x92: {  	v17 =	vld [tilespmem:$0x1280]  }
0x93: {  	v31 =	vld [tilespmem:$0x1230];
	v3 =	vadd.f32 $0.0e+00, v3;
	v2 =	vadd.f32 v15, v2  }
0x94: {  	v18 =	vld [tilespmem:$0x12B0];
	v4 =	vadd.f32 $0.0e+00, v4  }
0x95: {  	v32 =	vld [tilespmem:$0x1240];
	v3 =	vadd.f32 v6, v3;
	v2 =	vadd.f32 v16, v2  }
0x96: {  	v33 =	vld [tilespmem:$0x12E0];
	v4 =	vadd.f32 v7, v4  }
0x97: {  	v34 =	vld [tilespmem:$0x1260];
	v3 =	vadd.f32 v9, v3;
	v2 =	vadd.f32 v17, v2  }
0x98: {  	v35 =	vld [tilespmem:$0x1310];
	v4 =	vadd.f32 v10, v4  }
0x99: {  	v36 =	vld [tilespmem:$0x1270];
	v3 =	vadd.f32 v12, v3;
	v2 =	vadd.f32 v18, v2  }
0x9a: {  	v37 =	vld [tilespmem:$0x1340];
	v4 =	vadd.f32 v26, v4  }
0x9b: {  	v38 =	vld [tilespmem:$0x1290];
	v3 =	vadd.f32 v27, v3;
	v2 =	vadd.f32 v33, v2  }
0x9c: {  	v39 =	vld [tilespmem:$0x1370];
	v4 =	vadd.f32 v28, v4  }
0x9d: {  	v40 =	vld [tilespmem:$0x12A0];
	v3 =	vadd.f32 v29, v3;
	v2 =	vadd.f32 v35, v2  }
0x9e: {  	v41 =	vld [tilespmem:$0x13A0];
	v4 =	vadd.f32 v30, v4  }
0x9f: {  	v42 =	vld [tilespmem:$0x12C0];
	v3 =	vadd.f32 v31, v3;
	v2 =	vadd.f32 v37, v2  }
0xa0: {  	v43 =	vld [tilespmem:$0x13D0];
	v4 =	vadd.f32 v32, v4  }
0xa1: {  	v44 =	vld [tilespmem:$0x12D0];
	v3 =	vadd.f32 v34, v3;
	v2 =	vadd.f32 v39, v2  }
0xa2: {  	v45 =	vld [tilespmem:$0x12F0];
	v4 =	vadd.f32 v36, v4  }
0xa3: {  	v46 =	vld [tilespmem:$0x1300];
	v3 =	vadd.f32 v38, v3;
	v2 =	vadd.f32 v41, v2  }
0xa4: {  	v47 =	vld [tilespmem:$0x1320];
	v4 =	vadd.f32 v40, v4  }
0xa5: {  	v48 =	vld [tilespmem:$0x1330];
	v3 =	vadd.f32 v42, v3;
	v2 =	vadd.f32 v43, v2  }
0xa6: {  	v49 =	vld [tilespmem:$0x1350];
	v4 =	vadd.f32 v44, v4  }
0xa7: {  	v50 =	vld [tilespmem:$0x1360];
	v3 =	vadd.f32 v45, v3;
	v51 =	vadd.f32 $1.000000000e+00, v2  }
0xa8: {  	v52 =	vld [tilespmem:$0x1380];
	v4 =	vadd.f32 v46, v4  }
0xa9: {  	v53 =	vld [tilespmem:$0x1390];
	v3 =	vadd.f32 v47, v3;
	(erf) = vrcp.f32 v51  }
0xaa: {  	v54 =	vld [tilespmem:$0x13B0];
	v4 =	vadd.f32 v48, v4  }
0xab: {  	v55 =	vld [tilespmem:$0x13C0];
	v3 =	vadd.f32 v49, v3  }
0xac: {  	v56 =	vld [tilespmem:$0x13E0];
	v4 =	vadd.f32 v50, v4  }
0xad: {  	v57 =	vld [tilespmem:$0x13F0];
	v3 =	vadd.f32 v52, v3  }
0xae: {  	v4 =	vadd.f32 v53, v4  }
0xaf: {  	v3 =	vadd.f32 v54, v3  }
0xb0: {  	v4 =	vadd.f32 v55, v4  }
0xb1: {  	v3 =	vadd.f32 v56, v3;
	v58 =	vmul.f32 v2, v0  }
0xb2: {  	v4 =	vadd.f32 v57, v4;
	v2 =	vmul.f32 v2, v1;
	v59 =	vpop (erf)  }
0xb3: {  	v3 =	vsub.f32 v58, v3;
	v6 =	vmul.f32 $5.000000000e-01, v59  }
0xb4: {  	v60 =	vlaneseq.u32;
	v2 =	vsub.f32 v2, v4  }
0xb5: {  	v61 =	vadd.s32 $0xA, v60;
	v3 =	vmul.f32 v6, v3  }
0xb6: {  	v2 =	vmul.f32 v6, v2  }
0xb7: {  	v62 =	vsub.f32 v0, v3  }
0xb8: {  	s30 =	simm.s32 $0x1400;
	v63 =	vsub.f32 v1, v2  }
0xb9: {  	[tilespmem:v60+s30+$0x0] =	vst.idx.msk $0x3ff, v62  }
0xba: {  	[tilespmem:v61+s30+$0x0] =	vst.idx.msk $0x3ff, v63  }
0xbb: {  	[hbm4b:s1+s4] =	stream.linear.scatter [tilespmem:s30], [sflag:$0x3], $0x14, $0x38;
	[tilespmem:$0x14B0] =	vst v63  }
0xbc: {  	_ =	swait.ge [sflag:s5], $0x14  }
0xbd: {  	[sflag:s5] =	ssyncset.done $0x0  }
0xbe: {  	s31 =	simm.s32 $0x2;
	[sflag:s5] =	ssyncadd.s32 $0xFFFFFFEC  }
0xbf: {  	_ =	swait.ge [sflag:s31], $0x400  }
0xc0: {  	[sflag:s31] =	ssyncset.done $0x0  }
0xc1: {  	[sflag:s31] =	ssyncadd.s32 $0xFFFFFC00  }
0xc2: {  	_ =	sfence.sel $0x180000  }
0xc3: {  	[bflag:$0x0] =	sbarrier.arrive $0xFFFF  }
0xc4: {  	_ =	strace $0x90000047  }
0xc5: {  	s0 =	sadd.s32 $0x100000, s0;
	[bflag:$0x2] =	sbarrier.arrive $0xFFFF  }
0xc6: {  	[sflag:s0] =	ssyncadd.tile.s32 $0x1;
	_ =	shalt  }
.Lfunc_end2:
_tile_overlayer_lowered:
.L_overlay_start_2:
0xc7: {  	(tag) =	ssettag $0x2  }
0xc8: {  	s0 =	rddreg [dreg:$0x0];
	s2 =	stileid.u32  }
0xc9: {  	s1 =	rddreg [dreg:$0x1];
	p0 =	sne.s32 s2, $0x0  }
0xca: {  	s3 =	rddreg [dreg:$0x2];
	[bflag:$0x3] =	sbarrier.arrive $0xFFFF;
	s2 =	simm.s32 @!p0 $0x1C03  }
0xcb: {  	[timem:s3], [sflag:s2] =	dma.local @!p0 [hbm:s0], s1  }
0xcc: {  	s0 =	simm.s32 @!p0 $0x3  }
0xcd: {  	_ =	swait.ge @!p0 [sflag:s0], s1  }
0xce: {  	s1 =	ssub.s32 @!p0 $0x0, s1;
	[sflag:s0] =	ssyncset.done @!p0 $0x0  }
0xcf: {  	[sflag:s0] =	ssyncadd.s32 @!p0 s1  }
0xd0: {  	[bflag:$0x3] =	sbarrier.arrive $0xFFFF  }
0xd1: {  	_ =	shalt  }

</sc_bundles>
